<compile_context>
chip_gen: v7x
topology: tpu7x:2x2x1
jax: 0.10.2.dev20260603
libtpu: 0.0.44.dev20260713+nightly
codegen_flags: <defaults>
</compile_context>

<pallas_src>
import functools

import jax
import jax.numpy as jnp
from jax import lax
from jax.experimental import pallas as pl
from jax.experimental.pallas import tpu as pltpu
from jax.experimental.pallas import tpu_sc as plsc

_K = 64
_START = 61
_END = 63
_PADW = 8


def _crf_fwd_kernel(scores_t_ref, gold_ref, t_ref, out_ref, ef_scr, eb_scr):
    T = t_ref[:]
    Kn = T.shape[0]
    s_all = jnp.transpose(scores_t_ref[:], (1, 0, 2))
    Ln, Bn, _ = s_all.shape
    Wn = Kn + _PADW

    expT = jnp.exp(T)
    padc = jnp.zeros((Kn, _PADW - 1), jnp.float32)
    padr = jnp.zeros((_PADW, Wn), jnp.float32)

    def augment(M):
        rs = jnp.sum(M, axis=1, keepdims=True)
        return jnp.concatenate(
            [jnp.concatenate([M, rs, padc], axis=1), padr],
            axis=0).astype(jnp.bfloat16)

    XaF = augment(expT)
    XaB = augment(expT.T)

    exps = jnp.exp(s_all)
    zpad = jnp.zeros((Ln, Bn, _PADW), jnp.float32)
    opad = jnp.concatenate(
        [jnp.ones((Ln, Bn, 1), jnp.float32),
         jnp.zeros((Ln, Bn, _PADW - 1), jnp.float32)], axis=2)
    ef_scr[:] = jnp.concatenate([exps, zpad], axis=2).astype(jnp.bfloat16)
    eb_scr[:] = jnp.concatenate([exps, opad], axis=2).astype(jnp.bfloat16)

    c0 = jnp.max(T[_START, :])
    v0 = jnp.exp(T[_START, :] - c0)
    row_one = (jax.lax.broadcasted_iota(jnp.int32, (Bn, 1), 0)
               .astype(jnp.float32) * 0.0) + 1.0
    ones = jnp.broadcast_to(row_one, (Bn, Wn))
    zer = ones - ones
    a0row = jnp.concatenate(
        [v0, jnp.sum(v0)[None], jnp.zeros((_PADW - 1,), jnp.float32)])
    Af0 = a0row[None, :] * ones
    lane = jax.lax.broadcasted_iota(jnp.int32, (1, Wn), 1)
    u0row = ((lane == _END) | (lane == Kn)).astype(jnp.float32)
    Au0 = u0row * ones

    def body(t, carry):
        Af, rf, Au, ru, loga = carry
        Fv = Af * rf
        Uv = Au * ru
        hf = Fv[:, Kn:Kn + 1]
        hu = Uv[:, Kn:Kn + 1]
        rfn = jnp.broadcast_to(1.0 / hf, (Bn, Wn))
        run = jnp.broadcast_to(1.0 / hu, (Bn, Wn))
        Gf = (Fv * ef_scr[t].astype(jnp.float32)).astype(jnp.bfloat16)
        Afn = jnp.concatenate([
            jax.lax.dot_general(Gf[:16], XaF, (((1,), (0,)), ((), ())),
                                preferred_element_type=jnp.float32),
            jax.lax.dot_general(Gf[16:], XaF, (((1,), (0,)), ((), ())),
                                preferred_element_type=jnp.float32)], axis=0)
        Gu = Uv.astype(jnp.bfloat16)
        Aun = jnp.concatenate([
            jax.lax.dot_general(Gu[:16], XaB, (((1,), (0,)), ((), ())),
                                preferred_element_type=jnp.float32),
            jax.lax.dot_general(Gu[16:], XaB, (((1,), (0,)), ((), ())),
                                preferred_element_type=jnp.float32)], axis=0
        ) * eb_scr[Ln - 1 - t].astype(jnp.float32)
        return Afn, rfn, Aun, run, loga - jnp.log(rfn) - jnp.log(run)

    def body2(i, carry):
        return body(2 * i + 1, body(2 * i, carry))

    Af, rf, Au, ru, loga = jax.lax.fori_loop(
        0, Ln // 4, body2, (Af0, ones, Au0, ones, zer))
    Ff = Af * rf
    Uf = Au * ru
    dot_mid = jnp.sum((Ff * Uf)[:, :Kn], axis=1)
    fs_end = c0 + loga[:, 0] + jnp.log(dot_mid)
    forscores = jnp.sum(fs_end)

    sum_s0 = jnp.sum(s_all[:, :, 0])
    tg_tc = Bn * T[0, _START] + sum_s0

    loss = (forscores - tg_tc) / Bn
    out_ref[:, :] = jnp.broadcast_to(loss, (1, 1))


def _sc_gather_sum(table_rep, gold_flat):
    info = plsc.get_sparse_core_info()
    NC, NS = info.num_cores, info.num_subcores
    NW = NC * NS
    N = gold_flat.shape[0]
    per = N // NW
    mesh = plsc.VectorSubcoreMesh(core_axis_name="c", subcore_axis_name="s")

    @functools.partial(
        pl.kernel, mesh=mesh,
        out_type=jax.ShapeDtypeStruct((NW, 16), jnp.float32),
        scratch_types=[pltpu.VMEM((per,), jnp.int32),
                       pltpu.VMEM((per, 128), jnp.float32),
                       pltpu.VMEM((16,), jnp.float32),
                       pltpu.SemaphoreType.DMA],
    )
    def k(table_hbm, idx_hbm, out_hbm, idx_v, rows_v, acc_v, sem):
        wid = lax.axis_index("s") * NC + lax.axis_index("c")
        base = wid * per
        pltpu.sync_copy(idx_hbm.at[pl.ds(base, per)], idx_v)
        pltpu.async_copy(table_hbm.at[idx_v], rows_v, sem).wait()

        def bd(i, acc):
            return acc + rows_v[i, 0:16]

        acc_v[...] = jax.lax.fori_loop(
            0, per, bd, jnp.zeros((16,), jnp.float32))
        pltpu.sync_copy(acc_v, out_hbm.at[wid])

    return k(table_rep, gold_flat)


def kernel(scores, gold_target, transitions):
    B, L, K = scores.shape
    out = pl.pallas_call(
        _crf_fwd_kernel,
        out_shape=jax.ShapeDtypeStruct((1, 1), jnp.float32),
        scratch_shapes=[pltpu.VMEM((L, B, K + _PADW), jnp.bfloat16),
                        pltpu.VMEM((L, B, K + _PADW), jnp.bfloat16)],
    )(scores, gold_target, transitions)
    NW = 32
    table_rep = jnp.broadcast_to(transitions[0, :, None], (K, 128))
    parts = _sc_gather_sum(table_rep, gold_target.reshape(B * L))
    gather_sum = jnp.sum(parts) / 16.0
    return out[0, 0] - gather_sum / B

# --- scband reference (transcript-rebuilt; emitter-appended) ---
"""Pipeline reference for scband-crf-11871289606632 (READ-ONLY COPY).

The authoritative reference and input builder live on the scoring server;
editing this copy changes nothing except your own understanding.
"""

import jax, jax.numpy as jnp
import numpy as np

K = 64
START = 61
PAD = 62
END = 63
B = 32
L = 512


def setup_inputs(seed: int = 0) -> dict:
    key = jax.random.key(seed)
    k1, k2, k3 = jax.random.split(key, 3)
    scores = jax.random.normal(k1, (B, L, K), dtype=jnp.float32)
    gold_target = jax.random.randint(k2, (B, L), 0, 61).astype(jnp.int32)
    # learned transitions parameter, initialized as in the torch module (order matters)
    T = jax.random.normal(k3, (K, K), dtype=jnp.float32)
    T = T.at[:, START].set(-10000.0)
    T = T.at[END, :].set(-10000.0)
    T = T.at[PAD, :].set(-10000.0)
    T = T.at[PAD, END].set(0.0)
    T = T.at[PAD, PAD].set(0.0)
    T = T.at[START, :].set(0.0)
    return {"scores": scores, "gold_target": gold_target, "transitions": T}


def _crf_loss(scores, transitions, gold_target):
    Bn, Ln, Kl = scores.shape
    # get_crf_scores: crf[b,t,i,j] = scores[b,t,i] + transitions[i,j]
    crf = scores[:, :, :, None] + transitions[None, None, :, :]
    start = jnp.broadcast_to(transitions[None, None, :, :], (Bn, 1, Kl, Kl))
    crf_scores = jnp.concatenate([start, crf], axis=1)  # [B, L+1, K, K]
    # get_loss
    crf_t = jnp.transpose(crf_scores, (1, 0, 2, 3))  # [L+1, B, K, K]
    gt = jnp.concatenate(
        [jnp.full((1, Bn), START, dtype=gold_target.dtype), gold_target.T], axis=0
    )  # [L+1, B]
    flat = crf_t.reshape(Ln + 1, Bn, Kl * Kl)
    # faithful to torch: gather along flattened (from,to) dim with gold index
    tg_energy = jnp.take_along_axis(flat, gt[:, :, None].astype(jnp.int32), axis=2)
    tg_energy = tg_energy.reshape(Ln + 1, Bn).sum()
    # forward algorithm (mask is all ones since mask=None)
    init = crf_t[0][:, START, :]  # [B, K]
    def step(fs, trans):
        v = fs[:, :, None] + trans  # [B, K, K]
        m = jnp.max(v, axis=1, keepdims=True)
        fs_new = m[:, 0, :] + jnp.log(jnp.sum(jnp.exp(v - m), axis=1))
        return fs_new, None
    final, _ = jax.lax.scan(step, init, crf_t[1:])
    forscores = final[:, END].sum()
    loss = (forscores - tg_energy) / Bn
    return loss


def reference(scores, gold_target, transitions):
    return _crf_loss(scores, transitions, gold_target)

if __name__ == "__main__":
    import jax
    _d = setup_inputs()
    print(jax.jit(kernel)(*tuple(_d.values())))

</pallas_src>

<mosaic_0001>
#map = affine_map<(d0, d1) -> (0, 0)>
#map1 = affine_map<(d0, d1) -> (0)>
module attributes {stable_mosaic.version = 14 : i64} {
  func.func @k(%arg0: i32, %arg1: i32, %arg2: memref<64x128xf32, #tpu.memory_space<hbm>>, %arg3: memref<16384xi32, #tpu.memory_space<hbm>>, %arg4: memref<32x16xf32, #tpu.memory_space<hbm>>, %arg5: memref<512xi32, #tpu.memory_space<vmem>>, %arg6: memref<512x128xf32, #tpu.memory_space<vmem>>, %arg7: memref<16xf32, #tpu.memory_space<vmem>>, %arg8: memref<!tpu.dma_semaphore, #tpu.memory_space<semaphore_mem>>) attributes {dimension_semantics = [#tpu.dimension_semantics<core_parallel>, #tpu.dimension_semantics<subcore_parallel>], iteration_bounds = array<i64: 2, 16>, scalar_prefetch = 0 : i64, scratch_operands = 4 : i64, tpu.core_type = #tpu.core_type<sc_vector_subcore>, window_params = [{transform_indices = #map}, {transform_indices = #map1}, {transform_indices = #map}]} {
    %mul3A = arith.constant 2 : i32
    %mul3A_0 = arith.muli %arg1, %mul3A : i32
    %add3A = arith.addi %mul3A_0, %arg0 : i32
    %mul3A_1 = arith.constant 512 : i32
    %mul3A_2 = arith.muli %add3A, %mul3A_1 : i32
    "tpu.region"() ({
      %run_scoped3A = tpu.sem_alloc : memref<!tpu.dma_semaphore, #tpu.memory_space<semaphore_mem>>
      %dma_start3A_16 = tpu.memref_slice %arg3[%mul3A_2] : memref<16384xi32, #tpu.memory_space<hbm>> -> memref<512xi32, #tpu.memory_space<hbm>>
      %dma_start3A_17 = tpu.memref_slice %arg3[%mul3A_2] : memref<16384xi32, #tpu.memory_space<hbm>> -> memref<512xi32, #tpu.memory_space<hbm>>
      tpu.enqueue_dma source(%dma_start3A_17 : memref<512xi32, #tpu.memory_space<hbm>>) target(%arg5 : memref<512xi32, #tpu.memory_space<vmem>>) target_semaphore(%run_scoped3A : memref<!tpu.dma_semaphore, #tpu.memory_space<semaphore_mem>>)
      %dma_wait3A_18 = tpu.memref_slice %arg3[%mul3A_2] : memref<16384xi32, #tpu.memory_space<hbm>> -> memref<512xi32, #tpu.memory_space<hbm>>
      %dma_wait3A_19 = tpu.memref_slice %arg3[%mul3A_2] : memref<16384xi32, #tpu.memory_space<hbm>> -> memref<512xi32, #tpu.memory_space<hbm>>
      tpu.wait_dma2 semaphore(%run_scoped3A : memref<!tpu.dma_semaphore, #tpu.memory_space<semaphore_mem>>) src(%dma_wait3A_19 : memref<512xi32, #tpu.memory_space<hbm>>) dst(%arg5 : memref<512xi32, #tpu.memory_space<vmem>>)
      tpu.yield
    }) : () -> ()
    %dma_start3A = arith.constant 0 : i32
    %dma_start3A_3 = arith.constant 0 : i32
    %dma_start3A_4 = tpu.memref_slice %arg2[%dma_start3A, %dma_start3A_3] : memref<64x128xf32, #tpu.memory_space<hbm>> -> memref<64x128xf32, #tpu.memory_space<hbm>>
    tpu.enqueue_indirect_dma source(%dma_start3A_4 : memref<64x128xf32, #tpu.memory_space<hbm>>) target(%arg6 : memref<512x128xf32, #tpu.memory_space<vmem>>) offsets(%arg5 : memref<512xi32, #tpu.memory_space<vmem>>) semaphore(%arg8 : memref<!tpu.dma_semaphore, #tpu.memory_space<semaphore_mem>>)
    %dma_wait3A = arith.constant 0 : i32
    %dma_wait3A_5 = arith.constant 0 : i32
    %dma_wait3A_6 = tpu.memref_slice %arg2[%dma_wait3A, %dma_wait3A_5] : memref<64x128xf32, #tpu.memory_space<hbm>> -> memref<64x128xf32, #tpu.memory_space<hbm>>
    tpu.wait_indirect_dma semaphore(%arg8 : memref<!tpu.dma_semaphore, #tpu.memory_space<semaphore_mem>>) src(%dma_wait3A_6 : memref<64x128xf32, #tpu.memory_space<hbm>>) dst(%arg6 : memref<512x128xf32, #tpu.memory_space<vmem>>)
    %broadcast_in_dim3A = arith.constant 0.000000e+00 : f32
    %broadcast_in_dim3A_7 = vector.broadcast %broadcast_in_dim3A : f32 to vector<16xf32>
    %scan3A = arith.constant 0 : i32
    %scan3A_8 = arith.constant 512 : i32
    %scan3A_9 = arith.addi %scan3A, %scan3A_8 : i32
    %scan3A_10 = arith.constant 1 : i32
    %scan3A_11 = scf.for %scan3A_16 = %scan3A to %scan3A_9 step %scan3A_10 iter_args(%scan3A_17 = %broadcast_in_dim3A_7) -> (vector<16xf32>)  : i32 {
      %get3A = arith.index_cast %scan3A_16 : i32 to index
      %get3A_18 = arith.constant 0 : index
      %get3A_19 = tpu.vector_load %arg6[%get3A, %get3A_18] {strides = array<i32>} : memref<512x128xf32, #tpu.memory_space<vmem>>, vector<1x16xf32>,
      %get3A_20 = vector.shape_cast %get3A_19 : vector<1x16xf32> to vector<16xf32>
      %add3A_21 = arith.addf %scan3A_17, %get3A_20 : vector<16xf32>
      scf.yield %add3A_21 : vector<16xf32>
    }
    %scan3A_12 = arith.constant 512 : i32
    %swap3A = arith.constant 0 : index
    %swap3A_13 = tpu.vector_load %arg7[%swap3A] {strides = array<i32>} : memref<16xf32, #tpu.memory_space<vmem>>, vector<16xf32>,
    %swap3A_14 = vector.shape_cast %swap3A_13 : vector<16xf32> to vector<16xf32>
    %swap3A_15 = vector.shape_cast %scan3A_11 : vector<16xf32> to vector<16xf32>
    tpu.vector_store %arg7[%swap3A], %swap3A_15 {strides = array<i32>} : memref<16xf32, #tpu.memory_space<vmem>>, vector<16xf32>,
    "tpu.region"() ({
      %run_scoped3A = tpu.sem_alloc : memref<!tpu.dma_semaphore, #tpu.memory_space<semaphore_mem>>
      %dma_start3A_16 = arith.constant 0 : i32
      %dma_start3A_17 = tpu.memref_slice %arg4[%add3A, %dma_start3A_16] : memref<32x16xf32, #tpu.memory_space<hbm>> -> memref<1x16xf32, #tpu.memory_space<hbm>>
      %dma_start3A_18 = tpu.memref_squeeze %dma_start3A_17 : memref<1x16xf32, #tpu.memory_space<hbm>> -> memref<16xf32, #tpu.memory_space<hbm>>
      %dma_start3A_19 = arith.constant 0 : i32
      %dma_start3A_20 = tpu.memref_slice %arg4[%add3A, %dma_start3A_19] : memref<32x16xf32, #tpu.memory_space<hbm>> -> memref<1x16xf32, #tpu.memory_space<hbm>>
      %dma_start3A_21 = tpu.memref_squeeze %dma_start3A_20 : memref<1x16xf32, #tpu.memory_space<hbm>> -> memref<16xf32, #tpu.memory_space<hbm>>
      tpu.enqueue_dma source(%arg7 : memref<16xf32, #tpu.memory_space<vmem>>) target(%dma_start3A_21 : memref<16xf32, #tpu.memory_space<hbm>>) target_semaphore(%run_scoped3A : memref<!tpu.dma_semaphore, #tpu.memory_space<semaphore_mem>>)
      %dma_wait3A_22 = arith.constant 0 : i32
      %dma_wait3A_23 = tpu.memref_slice %arg4[%add3A, %dma_wait3A_22] : memref<32x16xf32, #tpu.memory_space<hbm>> -> memref<1x16xf32, #tpu.memory_space<hbm>>
      %dma_wait3A_24 = tpu.memref_squeeze %dma_wait3A_23 : memref<1x16xf32, #tpu.memory_space<hbm>> -> memref<16xf32, #tpu.memory_space<hbm>>
      %dma_wait3A_25 = arith.constant 0 : i32
      %dma_wait3A_26 = tpu.memref_slice %arg4[%add3A, %dma_wait3A_25] : memref<32x16xf32, #tpu.memory_space<hbm>> -> memref<1x16xf32, #tpu.memory_space<hbm>>
      %dma_wait3A_27 = tpu.memref_squeeze %dma_wait3A_26 : memref<1x16xf32, #tpu.memory_space<hbm>> -> memref<16xf32, #tpu.memory_space<hbm>>
      tpu.wait_dma2 semaphore(%run_scoped3A : memref<!tpu.dma_semaphore, #tpu.memory_space<semaphore_mem>>) src(%arg7 : memref<16xf32, #tpu.memory_space<vmem>>) dst(%dma_wait3A_27 : memref<16xf32, #tpu.memory_space<hbm>>)
      tpu.yield
    }) : () -> ()
    return
  }
}

module attributes {stable_mosaic.version = 14 : i64} {
  func.func @_crf_fwd_kernel(%arg0: memref<32x512x64xf32, #tpu.memory_space<vmem>>, %arg1: memref<32x512xi32, #tpu.memory_space<vmem>>, %arg2: memref<64x64xf32, #tpu.memory_space<vmem>>, %arg3: memref<1x1xf32, #tpu.memory_space<vmem>>, %arg4: memref<512x32x72xbf16, #tpu.memory_space<vmem>>, %arg5: memref<512x32x72xbf16, #tpu.memory_space<vmem>>) attributes {dimension_semantics = [], scalar_prefetch = 0 : i64, scratch_operands = 2 : i64, tpu.core_type = #tpu.core_type<tc>} {
    %get3A = arith.constant 0 : index
    %get3A_0 = arith.constant 0 : index
    %get3A_1 = vector.load %arg2[%get3A, %get3A_0] : memref<64x64xf32, #tpu.memory_space<vmem>>, vector<64x64xf32>
    %get3A_2 = arith.constant 0 : index
    %get3A_3 = arith.constant 0 : index
    %get3A_4 = arith.constant 0 : index
    %get3A_5 = vector.load %arg0[%get3A_2, %get3A_3, %get3A_4] : memref<32x512x64xf32, #tpu.memory_space<vmem>>, vector<32x512x64xf32>
    %transpose3A = tpu.transpose %get3A_5, [1, 0, 2] : vector<32x512x64xf32> -> vector<512x32x64xf32>
    %exp3A = math.exp %get3A_1 : vector<64x64xf32>
    %broadcast_in_dim3A = arith.constant 0.000000e+00 : f32
    %broadcast_in_dim3A_6 = vector.broadcast %broadcast_in_dim3A : f32 to vector<64x7xf32>
    %broadcast_in_dim3A_7 = arith.constant 0.000000e+00 : f32
    %broadcast_in_dim3A_8 = vector.broadcast %broadcast_in_dim3A_7 : f32 to vector<8x72xf32>
    %reduce_sum3A = arith.constant dense<0.000000e+00> : vector<64xf32>
    %reduce_sum3A_9 = vector.multi_reduction <add>, %exp3A, %reduce_sum3A [1] : vector<64x64xf32> to vector<64xf32>
    %broadcast_in_dim3A_10 = vector.shape_cast %reduce_sum3A_9 : vector<64xf32> to vector<64x1xf32>
    %concatenate3A = tpu.concatenate %exp3A, %broadcast_in_dim3A_10, %broadcast_in_dim3A_6 in 1 : vector<64x64xf32>, vector<64x1xf32>, vector<64x7xf32> -> vector<64x72xf32>
    %concatenate3A_11 = tpu.concatenate %concatenate3A, %broadcast_in_dim3A_8 in 0 : vector<64x72xf32>, vector<8x72xf32> -> vector<72x72xf32>
    %convert_element_type3A = arith.truncf %concatenate3A_11 : vector<72x72xf32> to vector<72x72xbf16>
    %transpose3A_12 = tpu.transpose %exp3A, [1, 0] : vector<64x64xf32> -> vector<64x64xf32>
    %reduce_sum3A_13 = arith.constant dense<0.000000e+00> : vector<64xf32>
    %reduce_sum3A_14 = vector.multi_reduction <add>, %transpose3A_12, %reduce_sum3A_13 [1] : vector<64x64xf32> to vector<64xf32>
    %broadcast_in_dim3A_15 = vector.shape_cast %reduce_sum3A_14 : vector<64xf32> to vector<64x1xf32>
    %concatenate3A_16 = tpu.concatenate %transpose3A_12, %broadcast_in_dim3A_15, %broadcast_in_dim3A_6 in 1 : vector<64x64xf32>, vector<64x1xf32>, vector<64x7xf32> -> vector<64x72xf32>
    %concatenate3A_17 = tpu.concatenate %concatenate3A_16, %broadcast_in_dim3A_8 in 0 : vector<64x72xf32>, vector<8x72xf32> -> vector<72x72xf32>
    %convert_element_type3A_18 = arith.truncf %concatenate3A_17 : vector<72x72xf32> to vector<72x72xbf16>
    %exp3A_19 = math.exp %transpose3A : vector<512x32x64xf32>
    %broadcast_in_dim3A_20 = arith.constant 0.000000e+00 : f32
    %broadcast_in_dim3A_21 = vector.broadcast %broadcast_in_dim3A_20 : f32 to vector<512x32x8xf32>
    %broadcast_in_dim3A_22 = arith.constant 1.000000e+00 : f32
    %broadcast_in_dim3A_23 = vector.broadcast %broadcast_in_dim3A_22 : f32 to vector<512x32x1xf32>
    %broadcast_in_dim3A_24 = arith.constant 0.000000e+00 : f32
    %broadcast_in_dim3A_25 = vector.broadcast %broadcast_in_dim3A_24 : f32 to vector<512x32x7xf32>
    %concatenate3A_26 = tpu.concatenate %broadcast_in_dim3A_23, %broadcast_in_dim3A_25 in 2 : vector<512x32x1xf32>, vector<512x32x7xf32> -> vector<512x32x8xf32>
    %concatenate3A_27 = tpu.concatenate %exp3A_19, %broadcast_in_dim3A_21 in 2 : vector<512x32x64xf32>, vector<512x32x8xf32> -> vector<512x32x72xf32>
    %convert_element_type3A_28 = arith.truncf %concatenate3A_27 : vector<512x32x72xf32> to vector<512x32x72xbf16>
    %swap3A = arith.constant 0 : index
    %swap3A_29 = arith.constant 0 : index
    %swap3A_30 = arith.constant 0 : index
    %swap3A_31 = vector.load %arg4[%swap3A, %swap3A_29, %swap3A_30] : memref<512x32x72xbf16, #tpu.memory_space<vmem>>, vector<512x32x72xbf16>
    tpu.vector_store %arg4[%swap3A, %swap3A_29, %swap3A_30], %convert_element_type3A_28 {strides = array<i32>} : memref<512x32x72xbf16, #tpu.memory_space<vmem>>, vector<512x32x72xbf16>,
    %concatenate3A_32 = tpu.concatenate %exp3A_19, %concatenate3A_26 in 2 : vector<512x32x64xf32>, vector<512x32x8xf32> -> vector<512x32x72xf32>
    %convert_element_type3A_33 = arith.truncf %concatenate3A_32 : vector<512x32x72xf32> to vector<512x32x72xbf16>
    %swap3A_34 = arith.constant 0 : index
    %swap3A_35 = arith.constant 0 : index
    %swap3A_36 = arith.constant 0 : index
    %swap3A_37 = vector.load %arg5[%swap3A_34, %swap3A_35, %swap3A_36] : memref<512x32x72xbf16, #tpu.memory_space<vmem>>, vector<512x32x72xbf16>
    tpu.vector_store %arg5[%swap3A_34, %swap3A_35, %swap3A_36], %convert_element_type3A_33 {strides = array<i32>} : memref<512x32x72xbf16, #tpu.memory_space<vmem>>, vector<512x32x72xbf16>,
    %slice3A = vector.extract_strided_slice %get3A_1 {offsets = [61, 0], sizes = [1, 64], strides = [1, 1]} : vector<64x64xf32> to vector<1x64xf32>
    %squeeze3A = vector.shape_cast %slice3A : vector<1x64xf32> to vector<64xf32>
    %reduce_max3A = vector.shape_cast %squeeze3A : vector<64xf32> to vector<1x64xf32>
    %reduce_max3A_38 = arith.constant dense<0xFF800000> : vector<1xf32>
    %reduce_max3A_39 = vector.multi_reduction <maximumf>, %reduce_max3A, %reduce_max3A_38 [1] : vector<1x64xf32> to vector<1xf32>
    %reduce_max3A_40 = vector.shape_cast %reduce_max3A_39 : vector<1xf32> to vector<1x1xf32>
    %reduce_max3A_41 = vector.extract %reduce_max3A_40[0, 0] : f32 from vector<1x1xf32>
    %slice3A_42 = vector.extract_strided_slice %get3A_1 {offsets = [61, 0], sizes = [1, 64], strides = [1, 1]} : vector<64x64xf32> to vector<1x64xf32>
    %squeeze3A_43 = vector.shape_cast %slice3A_42 : vector<1x64xf32> to vector<64xf32>
    %sub3A = vector.broadcast %reduce_max3A_41 : f32 to vector<64xf32>
    %sub3A_44 = arith.subf %squeeze3A_43, %sub3A : vector<64xf32>
    %exp3A_45 = math.exp %sub3A_44 : vector<64xf32>
    %iota3A = tpu.iota {dimensions = array<i32: 0>} : vector<32x1xi32>
    %convert_element_type3A_46 = arith.sitofp %iota3A : vector<32x1xi32> to vector<32x1xf32>
    %mul3A = arith.constant 0.000000e+00 : f32
    %mul3A_47 = vector.broadcast %mul3A : f32 to vector<32x1xf32>
    %mul3A_48 = arith.mulf %convert_element_type3A_46, %mul3A_47 : vector<32x1xf32>
    %add3A = arith.constant 1.000000e+00 : f32
    %add3A_49 = vector.broadcast %add3A : f32 to vector<32x1xf32>
    %add3A_50 = arith.addf %mul3A_48, %add3A_49 : vector<32x1xf32>
    %broadcast_in_dim3A_51 = vector.shape_cast %add3A_50 : vector<32x1xf32> to vector<32x1xf32>
    %broadcast_in_dim3A_52 = vector.broadcast %broadcast_in_dim3A_51 : vector<32x1xf32> to vector<32x72xf32>
    %sub3A_53 = arith.subf %broadcast_in_dim3A_52, %broadcast_in_dim3A_52 : vector<32x72xf32>
    %reduce_sum3A_54 = vector.shape_cast %exp3A_45 : vector<64xf32> to vector<1x64xf32>
    %reduce_sum3A_55 = arith.constant dense<0.000000e+00> : vector<1xf32>
    %reduce_sum3A_56 = vector.multi_reduction <add>, %reduce_sum3A_54, %reduce_sum3A_55 [1] : vector<1x64xf32> to vector<1xf32>
    %reduce_sum3A_57 = vector.shape_cast %reduce_sum3A_56 : vector<1xf32> to vector<1x1xf32>
    %reduce_sum3A_58 = vector.extract %reduce_sum3A_57[0, 0] : f32 from vector<1x1xf32>
    %broadcast_in_dim3A_59 = vector.broadcast %reduce_sum3A_58 : f32 to vector<1xf32>
    %broadcast_in_dim3A_60 = arith.constant 0.000000e+00 : f32
    %broadcast_in_dim3A_61 = vector.broadcast %broadcast_in_dim3A_60 : f32 to vector<7xf32>
    %concatenate3A_62 = tpu.concatenate %exp3A_45, %broadcast_in_dim3A_59, %broadcast_in_dim3A_61 in 0 : vector<64xf32>, vector<1xf32>, vector<7xf32> -> vector<72xf32>
    %broadcast_in_dim3A_63 = vector.shape_cast %concatenate3A_62 : vector<72xf32> to vector<1x72xf32>
    %mul3A_64 = vector.broadcast %broadcast_in_dim3A_63 : vector<1x72xf32> to vector<32x72xf32>
    %mul3A_65 = arith.mulf %mul3A_64, %broadcast_in_dim3A_52 : vector<32x72xf32>
    %iota3A_66 = tpu.iota {dimensions = array<i32: 1>} : vector<1x72xi32>
    %eq3A = arith.constant 63 : i32
    %eq3A_67 = vector.broadcast %eq3A : i32 to vector<1x72xi32>
    %eq3A_68 = arith.cmpi eq, %iota3A_66, %eq3A_67 : vector<1x72xi32>
    %eq3A_69 = arith.constant 64 : i32
    %eq3A_70 = vector.broadcast %eq3A_69 : i32 to vector<1x72xi32>
    %eq3A_71 = arith.cmpi eq, %iota3A_66, %eq3A_70 : vector<1x72xi32>
    %or3A = arith.ori %eq3A_68, %eq3A_71 : vector<1x72xi1>
    %convert_element_type3A_72 = arith.extui %or3A : vector<1x72xi1> to vector<1x72xi32>
    %convert_element_type3A_73 = arith.sitofp %convert_element_type3A_72 : vector<1x72xi32> to vector<1x72xf32>
    %mul3A_74 = vector.broadcast %convert_element_type3A_73 : vector<1x72xf32> to vector<32x72xf32>
    %mul3A_75 = arith.mulf %mul3A_74, %broadcast_in_dim3A_52 : vector<32x72xf32>
    %scan3A = arith.constant 0 : i32
    %scan3A_76 = arith.constant 128 : i32
    %scan3A_77 = arith.addi %scan3A, %scan3A_76 : i32
    %scan3A_78 = arith.constant 1 : i32
    %scan3A_79:5 = scf.for %scan3A_115 = %scan3A to %scan3A_77 step %scan3A_78 iter_args(%scan3A_116 = %mul3A_65, %scan3A_117 = %broadcast_in_dim3A_52, %scan3A_118 = %mul3A_75, %scan3A_119 = %broadcast_in_dim3A_52, %scan3A_120 = %sub3A_53) -> (vector<32x72xf32>, vector<32x72xf32>, vector<32x72xf32>, vector<32x72xf32>, vector<32x72xf32>)  : i32 {
      %mul3A_121 = arith.constant 2 : i32
      %mul3A_122 = arith.muli %mul3A_121, %scan3A_115 : i32
      %add3A_123 = arith.constant 1 : i32
      %add3A_124 = arith.addi %mul3A_122, %add3A_123 : i32
      %mul3A_125 = arith.constant 2 : i32
      %mul3A_126 = arith.muli %mul3A_125, %scan3A_115 : i32
      %mul3A_127 = arith.mulf %scan3A_116, %scan3A_117 : vector<32x72xf32>
      %mul3A_128 = arith.mulf %scan3A_118, %scan3A_119 : vector<32x72xf32>
      %slice3A_129 = vector.extract_strided_slice %mul3A_127 {offsets = [0, 64], sizes = [32, 1], strides = [1, 1]} : vector<32x72xf32> to vector<32x1xf32>
      %slice3A_130 = vector.extract_strided_slice %mul3A_128 {offsets = [0, 64], sizes = [32, 1], strides = [1, 1]} : vector<32x72xf32> to vector<32x1xf32>
      %div3A_131 = arith.constant 1.000000e+00 : f32
      %div3A_132 = vector.broadcast %div3A_131 : f32 to vector<32x1xf32>
      %div3A_133 = arith.divf %div3A_132, %slice3A_129 : vector<32x1xf32>
      %broadcast_in_dim3A_134 = vector.shape_cast %div3A_133 : vector<32x1xf32> to vector<32x1xf32>
      %broadcast_in_dim3A_135 = vector.broadcast %broadcast_in_dim3A_134 : vector<32x1xf32> to vector<32x72xf32>
      %div3A_136 = arith.constant 1.000000e+00 : f32
      %div3A_137 = vector.broadcast %div3A_136 : f32 to vector<32x1xf32>
      %div3A_138 = arith.divf %div3A_137, %slice3A_130 : vector<32x1xf32>
      %broadcast_in_dim3A_139 = vector.shape_cast %div3A_138 : vector<32x1xf32> to vector<32x1xf32>
      %broadcast_in_dim3A_140 = vector.broadcast %broadcast_in_dim3A_139 : vector<32x1xf32> to vector<32x72xf32>
      %get3A_141 = arith.index_cast %mul3A_126 : i32 to index
      %get3A_142 = arith.constant 0 : index
      %get3A_143 = arith.constant 0 : index
      %get3A_144 = vector.load %arg4[%get3A_141, %get3A_142, %get3A_143] : memref<512x32x72xbf16, #tpu.memory_space<vmem>>, vector<1x32x72xbf16>
      %get3A_145 = vector.shape_cast %get3A_144 : vector<1x32x72xbf16> to vector<32x72xbf16>
      %convert_element_type3A_146 = arith.extf %get3A_145 : vector<32x72xbf16> to vector<32x72xf32>
      %mul3A_147 = arith.mulf %mul3A_127, %convert_element_type3A_146 : vector<32x72xf32>
      %convert_element_type3A_148 = arith.truncf %mul3A_147 : vector<32x72xf32> to vector<32x72xbf16>
      %slice3A_149 = vector.extract_strided_slice %convert_element_type3A_148 {offsets = [0, 0], sizes = [16, 72], strides = [1, 1]} : vector<32x72xbf16> to vector<16x72xbf16>
      %dot_general3A = arith.constant dense<0.000000e+00> : vector<16x72xf32>
      %dot_general3A_150 = tpu.matmul %slice3A_149, %convert_element_type3A, %dot_general3A {dimension_numbers = #tpu.dot_dimension_numbers<[1], [0], [0], [1], [0, 0, 1, 1], [], []>, transpose_lhs_hint = false} : vector<16x72xbf16>, vector<72x72xbf16>, vector<16x72xf32> -> vector<16x72xf32>
      %slice3A_151 = vector.extract_strided_slice %convert_element_type3A_148 {offsets = [16, 0], sizes = [16, 72], strides = [1, 1]} : vector<32x72xbf16> to vector<16x72xbf16>
      %dot_general3A_152 = arith.constant dense<0.000000e+00> : vector<16x72xf32>
      %dot_general3A_153 = tpu.matmul %slice3A_151, %convert_element_type3A, %dot_general3A_152 {dimension_numbers = #tpu.dot_dimension_numbers<[1], [0], [0], [1], [0, 0, 1, 1], [], []>, transpose_lhs_hint = false} : vector<16x72xbf16>, vector<72x72xbf16>, vector<16x72xf32> -> vector<16x72xf32>
      %concatenate3A_154 = tpu.concatenate %dot_general3A_150, %dot_general3A_153 in 0 : vector<16x72xf32>, vector<16x72xf32> -> vector<32x72xf32>
      %convert_element_type3A_155 = arith.truncf %mul3A_128 : vector<32x72xf32> to vector<32x72xbf16>
      %slice3A_156 = vector.extract_strided_slice %convert_element_type3A_155 {offsets = [0, 0], sizes = [16, 72], strides = [1, 1]} : vector<32x72xbf16> to vector<16x72xbf16>
      %dot_general3A_157 = arith.constant dense<0.000000e+00> : vector<16x72xf32>
      %dot_general3A_158 = tpu.matmul %slice3A_156, %convert_element_type3A_18, %dot_general3A_157 {dimension_numbers = #tpu.dot_dimension_numbers<[1], [0], [0], [1], [0, 0, 1, 1], [], []>, transpose_lhs_hint = false} : vector<16x72xbf16>, vector<72x72xbf16>, vector<16x72xf32> -> vector<16x72xf32>
      %slice3A_159 = vector.extract_strided_slice %convert_element_type3A_155 {offsets = [16, 0], sizes = [16, 72], strides = [1, 1]} : vector<32x72xbf16> to vector<16x72xbf16>
      %dot_general3A_160 = arith.constant dense<0.000000e+00> : vector<16x72xf32>
      %dot_general3A_161 = tpu.matmul %slice3A_159, %convert_element_type3A_18, %dot_general3A_160 {dimension_numbers = #tpu.dot_dimension_numbers<[1], [0], [0], [1], [0, 0, 1, 1], [], []>, transpose_lhs_hint = false} : vector<16x72xbf16>, vector<72x72xbf16>, vector<16x72xf32> -> vector<16x72xf32>
      %concatenate3A_162 = tpu.concatenate %dot_general3A_158, %dot_general3A_161 in 0 : vector<16x72xf32>, vector<16x72xf32> -> vector<32x72xf32>
      %sub3A_163 = arith.constant 511 : i32
      %sub3A_164 = arith.subi %sub3A_163, %mul3A_126 : i32
      %get3A_165 = arith.index_cast %sub3A_164 : i32 to index
      %get3A_166 = arith.constant 0 : index
      %get3A_167 = arith.constant 0 : index
      %get3A_168 = vector.load %arg5[%get3A_165, %get3A_166, %get3A_167] : memref<512x32x72xbf16, #tpu.memory_space<vmem>>, vector<1x32x72xbf16>
      %get3A_169 = vector.shape_cast %get3A_168 : vector<1x32x72xbf16> to vector<32x72xbf16>
      %convert_element_type3A_170 = arith.extf %get3A_169 : vector<32x72xbf16> to vector<32x72xf32>
      %mul3A_171 = arith.mulf %concatenate3A_162, %convert_element_type3A_170 : vector<32x72xf32>
      %log3A_172 = math.log %broadcast_in_dim3A_135 : vector<32x72xf32>
      %sub3A_173 = arith.subf %scan3A_120, %log3A_172 : vector<32x72xf32>
      %log3A_174 = math.log %broadcast_in_dim3A_140 : vector<32x72xf32>
      %sub3A_175 = arith.subf %sub3A_173, %log3A_174 : vector<32x72xf32>
      %mul3A_176 = arith.mulf %concatenate3A_154, %broadcast_in_dim3A_135 : vector<32x72xf32>
      %mul3A_177 = arith.mulf %mul3A_171, %broadcast_in_dim3A_140 : vector<32x72xf32>
      %slice3A_178 = vector.extract_strided_slice %mul3A_176 {offsets = [0, 64], sizes = [32, 1], strides = [1, 1]} : vector<32x72xf32> to vector<32x1xf32>
      %slice3A_179 = vector.extract_strided_slice %mul3A_177 {offsets = [0, 64], sizes = [32, 1], strides = [1, 1]} : vector<32x72xf32> to vector<32x1xf32>
      %div3A_180 = arith.constant 1.000000e+00 : f32
      %div3A_181 = vector.broadcast %div3A_180 : f32 to vector<32x1xf32>
      %div3A_182 = arith.divf %div3A_181, %slice3A_178 : vector<32x1xf32>
      %broadcast_in_dim3A_183 = vector.shape_cast %div3A_182 : vector<32x1xf32> to vector<32x1xf32>
      %broadcast_in_dim3A_184 = vector.broadcast %broadcast_in_dim3A_183 : vector<32x1xf32> to vector<32x72xf32>
      %div3A_185 = arith.constant 1.000000e+00 : f32
      %div3A_186 = vector.broadcast %div3A_185 : f32 to vector<32x1xf32>
      %div3A_187 = arith.divf %div3A_186, %slice3A_179 : vector<32x1xf32>
      %broadcast_in_dim3A_188 = vector.shape_cast %div3A_187 : vector<32x1xf32> to vector<32x1xf32>
      %broadcast_in_dim3A_189 = vector.broadcast %broadcast_in_dim3A_188 : vector<32x1xf32> to vector<32x72xf32>
      %get3A_190 = arith.index_cast %add3A_124 : i32 to index
      %get3A_191 = arith.constant 0 : index
      %get3A_192 = arith.constant 0 : index
      %get3A_193 = vector.load %arg4[%get3A_190, %get3A_191, %get3A_192] : memref<512x32x72xbf16, #tpu.memory_space<vmem>>, vector<1x32x72xbf16>
      %get3A_194 = vector.shape_cast %get3A_193 : vector<1x32x72xbf16> to vector<32x72xbf16>
      %convert_element_type3A_195 = arith.extf %get3A_194 : vector<32x72xbf16> to vector<32x72xf32>
      %mul3A_196 = arith.mulf %mul3A_176, %convert_element_type3A_195 : vector<32x72xf32>
      %convert_element_type3A_197 = arith.truncf %mul3A_196 : vector<32x72xf32> to vector<32x72xbf16>
      %slice3A_198 = vector.extract_strided_slice %convert_element_type3A_197 {offsets = [0, 0], sizes = [16, 72], strides = [1, 1]} : vector<32x72xbf16> to vector<16x72xbf16>
      %dot_general3A_199 = arith.constant dense<0.000000e+00> : vector<16x72xf32>
      %dot_general3A_200 = tpu.matmul %slice3A_198, %convert_element_type3A, %dot_general3A_199 {dimension_numbers = #tpu.dot_dimension_numbers<[1], [0], [0], [1], [0, 0, 1, 1], [], []>, transpose_lhs_hint = false} : vector<16x72xbf16>, vector<72x72xbf16>, vector<16x72xf32> -> vector<16x72xf32>
      %slice3A_201 = vector.extract_strided_slice %convert_element_type3A_197 {offsets = [16, 0], sizes = [16, 72], strides = [1, 1]} : vector<32x72xbf16> to vector<16x72xbf16>
      %dot_general3A_202 = arith.constant dense<0.000000e+00> : vector<16x72xf32>
      %dot_general3A_203 = tpu.matmul %slice3A_201, %convert_element_type3A, %dot_general3A_202 {dimension_numbers = #tpu.dot_dimension_numbers<[1], [0], [0], [1], [0, 0, 1, 1], [], []>, transpose_lhs_hint = false} : vector<16x72xbf16>, vector<72x72xbf16>, vector<16x72xf32> -> vector<16x72xf32>
      %concatenate3A_204 = tpu.concatenate %dot_general3A_200, %dot_general3A_203 in 0 : vector<16x72xf32>, vector<16x72xf32> -> vector<32x72xf32>
      %convert_element_type3A_205 = arith.truncf %mul3A_177 : vector<32x72xf32> to vector<32x72xbf16>
      %slice3A_206 = vector.extract_strided_slice %convert_element_type3A_205 {offsets = [0, 0], sizes = [16, 72], strides = [1, 1]} : vector<32x72xbf16> to vector<16x72xbf16>
      %dot_general3A_207 = arith.constant dense<0.000000e+00> : vector<16x72xf32>
      %dot_general3A_208 = tpu.matmul %slice3A_206, %convert_element_type3A_18, %dot_general3A_207 {dimension_numbers = #tpu.dot_dimension_numbers<[1], [0], [0], [1], [0, 0, 1, 1], [], []>, transpose_lhs_hint = false} : vector<16x72xbf16>, vector<72x72xbf16>, vector<16x72xf32> -> vector<16x72xf32>
      %slice3A_209 = vector.extract_strided_slice %convert_element_type3A_205 {offsets = [16, 0], sizes = [16, 72], strides = [1, 1]} : vector<32x72xbf16> to vector<16x72xbf16>
      %dot_general3A_210 = arith.constant dense<0.000000e+00> : vector<16x72xf32>
      %dot_general3A_211 = tpu.matmul %slice3A_209, %convert_element_type3A_18, %dot_general3A_210 {dimension_numbers = #tpu.dot_dimension_numbers<[1], [0], [0], [1], [0, 0, 1, 1], [], []>, transpose_lhs_hint = false} : vector<16x72xbf16>, vector<72x72xbf16>, vector<16x72xf32> -> vector<16x72xf32>
      %concatenate3A_212 = tpu.concatenate %dot_general3A_208, %dot_general3A_211 in 0 : vector<16x72xf32>, vector<16x72xf32> -> vector<32x72xf32>
      %sub3A_213 = arith.constant 511 : i32
      %sub3A_214 = arith.subi %sub3A_213, %add3A_124 : i32
      %get3A_215 = arith.index_cast %sub3A_214 : i32 to index
      %get3A_216 = arith.constant 0 : index
      %get3A_217 = arith.constant 0 : index
      %get3A_218 = vector.load %arg5[%get3A_215, %get3A_216, %get3A_217] : memref<512x32x72xbf16, #tpu.memory_space<vmem>>, vector<1x32x72xbf16>
      %get3A_219 = vector.shape_cast %get3A_218 : vector<1x32x72xbf16> to vector<32x72xbf16>
      %convert_element_type3A_220 = arith.extf %get3A_219 : vector<32x72xbf16> to vector<32x72xf32>
      %mul3A_221 = arith.mulf %concatenate3A_212, %convert_element_type3A_220 : vector<32x72xf32>
      %log3A_222 = math.log %broadcast_in_dim3A_184 : vector<32x72xf32>
      %sub3A_223 = arith.subf %sub3A_175, %log3A_222 : vector<32x72xf32>
      %log3A_224 = math.log %broadcast_in_dim3A_189 : vector<32x72xf32>
      %sub3A_225 = arith.subf %sub3A_223, %log3A_224 : vector<32x72xf32>
      scf.yield %concatenate3A_204, %broadcast_in_dim3A_184, %mul3A_221, %broadcast_in_dim3A_189, %sub3A_225 : vector<32x72xf32>, vector<32x72xf32>, vector<32x72xf32>, vector<32x72xf32>, vector<32x72xf32>
    }
    %scan3A_80 = arith.constant 128 : i32
    %mul3A_81 = arith.mulf %scan3A_79#0, %scan3A_79#1 : vector<32x72xf32>
    %mul3A_82 = arith.mulf %scan3A_79#2, %scan3A_79#3 : vector<32x72xf32>
    %mul3A_83 = arith.mulf %mul3A_81, %mul3A_82 : vector<32x72xf32>
    %slice3A_84 = vector.extract_strided_slice %mul3A_83 {offsets = [0, 0], sizes = [32, 64], strides = [1, 1]} : vector<32x72xf32> to vector<32x64xf32>
    %reduce_sum3A_85 = arith.constant dense<0.000000e+00> : vector<32xf32>
    %reduce_sum3A_86 = vector.multi_reduction <add>, %slice3A_84, %reduce_sum3A_85 [1] : vector<32x64xf32> to vector<32xf32>
    %slice3A_87 = vector.extract_strided_slice %scan3A_79#4 {offsets = [0, 0], sizes = [32, 1], strides = [1, 1]} : vector<32x72xf32> to vector<32x1xf32>
    %squeeze3A_88 = vector.shape_cast %slice3A_87 : vector<32x1xf32> to vector<32xf32>
    %add3A_89 = vector.broadcast %reduce_max3A_41 : f32 to vector<32xf32>
    %add3A_90 = arith.addf %add3A_89, %squeeze3A_88 : vector<32xf32>
    %log3A = math.log %reduce_sum3A_86 : vector<32xf32>
    %add3A_91 = arith.addf %add3A_90, %log3A : vector<32xf32>
    %reduce_sum3A_92 = vector.shape_cast %add3A_91 : vector<32xf32> to vector<1x32xf32>
    %reduce_sum3A_93 = arith.constant dense<0.000000e+00> : vector<1xf32>
    %reduce_sum3A_94 = vector.multi_reduction <add>, %reduce_sum3A_92, %reduce_sum3A_93 [1] : vector<1x32xf32> to vector<1xf32>
    %reduce_sum3A_95 = vector.shape_cast %reduce_sum3A_94 : vector<1xf32> to vector<1x1xf32>
    %reduce_sum3A_96 = vector.extract %reduce_sum3A_95[0, 0] : f32 from vector<1x1xf32>
    %slice3A_97 = vector.extract_strided_slice %transpose3A {offsets = [0, 0, 0], sizes = [512, 32, 1], strides = [1, 1, 1]} : vector<512x32x64xf32> to vector<512x32x1xf32>
    %squeeze3A_98 = vector.shape_cast %slice3A_97 : vector<512x32x1xf32> to vector<512x32xf32>
    %reduce_sum3A_99 = vector.shape_cast %squeeze3A_98 : vector<512x32xf32> to vector<1x512x32xf32>
    %reduce_sum3A_100 = arith.constant dense<0.000000e+00> : vector<1xf32>
    %reduce_sum3A_101 = vector.multi_reduction <add>, %reduce_sum3A_99, %reduce_sum3A_100 [1, 2] : vector<1x512x32xf32> to vector<1xf32>
    %reduce_sum3A_102 = vector.shape_cast %reduce_sum3A_101 : vector<1xf32> to vector<1x1x1xf32>
    %reduce_sum3A_103 = vector.extract %reduce_sum3A_102[0, 0, 0] : f32 from vector<1x1x1xf32>
    %slice3A_104 = vector.extract_strided_slice %get3A_1 {offsets = [0, 61], sizes = [1, 1], strides = [1, 1]} : vector<64x64xf32> to vector<1x1xf32>
    %squeeze3A_105 = vector.extract %slice3A_104[0, 0] : f32 from vector<1x1xf32>
    %mul3A_106 = arith.constant 3.200000e+01 : f32
    %mul3A_107 = arith.mulf %mul3A_106, %squeeze3A_105 : f32
    %add3A_108 = arith.addf %mul3A_107, %reduce_sum3A_103 : f32
    %sub3A_109 = arith.subf %reduce_sum3A_96, %add3A_108 : f32
    %div3A = arith.constant 3.200000e+01 : f32
    %div3A_110 = arith.divf %sub3A_109, %div3A : f32
    %broadcast_in_dim3A_111 = vector.broadcast %div3A_110 : f32 to vector<1x1xf32>
    %swap3A_112 = arith.constant 0 : index
    %swap3A_113 = arith.constant 0 : index
    %swap3A_114 = vector.load %arg3[%swap3A_112, %swap3A_113] : memref<1x1xf32, #tpu.memory_space<vmem>>, vector<1x1xf32>
    tpu.vector_store %arg3[%swap3A_112, %swap3A_113], %broadcast_in_dim3A_111 {strides = array<i32>} : memref<1x1xf32, #tpu.memory_space<vmem>>, vector<1x1xf32>,
    return
  }
}

</mosaic_0001>

<sc_bundles>
// kernel: kernel.4.cloned.1.call-start
scs
__scs_entry_jumppad:
0x0: {  	(pc) =	sbr.rel $0x88, $3  }
0x1: {  	(tag) =	ssettag $0x0;
	lr =	simm.s32 $0x1  }
0x2: {  	[smem:$0x3F9E] =	sst lr;
	_ =	strace $0xD0000000  }
0x3: {  	_ = 	snop  }
0x4: {  	_ = 	snop  }
0x5: {  	_ = 	snop  }
0x6: {  	_ = 	snop  }
0x7: {  	_ = 	snop  }
__scs_overlays_trampoline_lowered:
0x8: {  	[smem:$0x3FAD] =	sst s0  }
0x9: {  	[smem:$0x3FAE] =	sst s1  }
0xa: {  	[smem:$0x3FAF] =	sst s2  }
0xb: {  	[smem:$0x3FB0] =	sst s3  }
0xc: {  	[smem:$0x3FB1] =	sst s4  }
0xd: {  	[smem:$0x3FB2] =	sst s5  }
0xe: {  	[smem:$0x3FB3] =	sst s6  }
0xf: {  	[smem:$0x3FB4] =	sst s7  }
0x10: {  	[smem:$0x3FB5] =	sst s8  }
0x11: {  	[smem:$0x3FB6] =	sst s9;
	s0 =	simm.s32 @!p0 $0x0  }
0x12: {  	s1 =	sld [smem:$0x3F9C];
	s0 =	simm.s32 @p0 $0x1  }
0x13: {  	[smem:$0x3FB7] =	sst s0;
	s0 =	simm.s32 @!p1 $0x0  }
0x14: {  	s2 =	sld [smem:$0x3F9B];
	s0 =	simm.s32 @p1 $0x1  }
0x15: {  	[smem:$0x3FB8] =	sst s0;
	s0 =	simm.s32 @!p2 $0x0  }
0x16: {  	s3 =	sld [smem:$0x3FDB];
	s0 =	simm.s32 @p2 $0x1  }
0x17: {  	s4 =	simm.s32 $0x1BF5;
	[smem:$0x3FBA] =	sst s0  }
0x18: {  	s0 =	sld [smem:$0x3F9D];
	_ =	swait.ge [sflag:s4], $0x0  }
0x19: {  	s7 =	sld [smem:$0x3F9E]  }
0x1a: {  	s8 =	sadd.s32 $0xFFFFE003, lr  }
0x1b: {  	s9 =	sadd.s32 $0xFFFFFEF7, lr;
	s5 =	simm.s32 $0xFFFFFFFF;
	p2 =	slt.u32 s8, $0xFFFFF086  }
0x1c: {  	p1 =	slt.u32 s9, $0xF7A;
	s5 =	simm.s32 @!p2 $0x0  }
0x1d: {  	s5 =	simm.s32 @p1 $0x1;
	p0 =	seq.s32 s7, s2  }
0x1e: {  	s7 =	smul.u32 @!p0 $0xF7A, s2;
	p2 =	seq.s32 @!p0 s5, $0x0  }
0x1f: {  	s9 =	smul.u32 $0xF7A, s1;
	s8 =	simm.s32 @!p0 $0x1BF5;
	p2 =	por !p2, p0  }
0x20: {  	[sflag:s8] =	ssyncset.s32 @!p0 $0xFFFFF086;
	s6 =	sadd.s32 @!p0 s3, s7;
	s7 =	simm.s32 @!p0 $0x108  }
0x21: {  	s3 =	sadd.s32 s3, s9;
	s6 =	sadd.s32 @!p0 $0x88, s6;
	s7 =	simm.s32 @p2 $0x1082  }
0x22: {  	[simem:s7], [sflag:s8] =	dma.local @!p0 [hbm:s6], $0xF7A  }
0x23: {  	s9 =	sor.u32 $0xD0000000, s2;
	s6 =	simm.s32 $0x108;
	_ =	swait.ge @!p0 [sflag:s8], $0x0  }
0x24: {  	s3 =	sadd.s32 $0x88, s3;
	s6 =	simm.s32 @!p1 $0x1082;
	[sflag:s4] =	ssyncset.s32 $0xFFFFF086  }
0x25: {  	[simem:s6], [sflag:s4] =	dma.local [hbm:s3], $0xF7A  }
0x26: {  	[smem:$0x3F9E] =	sst s1;
	(tag) =	ssettag s2;
	_ =	strace s9  }
0x27: {  	s1 =	sld [smem:$0x3FAE]  }
0x28: {  	s2 =	sld [smem:$0x3FAF]  }
0x29: {  	s4 =	sld [smem:$0x3FB1]  }
0x2a: {  	p0 =	seq.s32 s5, $0x0;
	s5 =	sld [smem:$0x3FB2]  }
0x2b: {  	s6 =	sld [smem:$0x3FB3]  }
0x2c: {  	s7 =	sld [smem:$0x3FB4]  }
0x2d: {  	s3 =	simm.s32 $0x108;
	s8 =	sld [smem:$0x3FB5]  }
0x2e: {  	s3 =	simm.s32 @!p0 $0x1082;
	s9 =	sld [smem:$0x3FB6]  }
0x2f: {  	lr =	sadd.s32 s0, s3;
	s0 =	sld [smem:$0x3FAD]  }
0x30: {  	s3 =	sld [smem:$0x3FB0]  }
0x31: {  	[smem:$0x3FB9] =	sst s10  }
0x32: {  	s10 =	sld [smem:$0x3FB7];
	_ =	sdelay $0x3  }
0x33: {  	p0 =	seq.s32 s10, $0x1;
	s10 =	sld [smem:$0x3FB9];
	_ =	sdelay $0x3  }
0x34: {  	[smem:$0x3FB9] =	sst s10  }
0x35: {  	s10 =	sld [smem:$0x3FB8];
	_ =	sdelay $0x3  }
0x36: {  	p1 =	seq.s32 s10, $0x1;
	s10 =	sld [smem:$0x3FB9];
	_ =	sdelay $0x3  }
0x37: {  	[smem:$0x3FB9] =	sst s10  }
0x38: {  	s10 =	sld [smem:$0x3FBA]  }
0x39: {  	_ = 	snop;
	(pc) =	sbr.ind lr, $3  }
0x3a: {  	_ = 	snop  }
0x3b: {  	_ = 	snop  }
0x3c: {  	p2 =	seq.s32 s10, $0x1;
	s10 =	sld [smem:$0x3FB9]  }
0x3d: {  	_ =	shalt  }
0x3e: {  	_ =	shalt  }
0x3f: {  	_ =	shalt  }
0x40: {  	_ =	shalt  }
0x41: {  	_ =	shalt  }
0x42: {  	_ =	shalt  }
0x43: {  	_ =	shalt  }
0x44: {  	_ =	shalt  }
0x45: {  	_ =	shalt  }
0x46: {  	_ =	shalt  }
0x47: {  	_ =	shalt  }
0x48: {  	_ =	shalt  }
0x49: {  	_ =	shalt  }
0x4a: {  	_ =	shalt  }
0x4b: {  	_ =	shalt  }
0x4c: {  	_ =	shalt  }
0x4d: {  	_ =	shalt  }
0x4e: {  	_ =	shalt  }
0x4f: {  	_ =	shalt  }
0x50: {  	_ =	shalt  }
0x51: {  	_ =	shalt  }
0x52: {  	_ =	shalt  }
0x53: {  	_ =	shalt  }
0x54: {  	_ =	shalt  }
0x55: {  	_ =	shalt  }
0x56: {  	_ =	shalt  }
0x57: {  	_ =	shalt  }
0x58: {  	_ =	shalt  }
0x59: {  	_ =	shalt  }
0x5a: {  	_ =	shalt  }
0x5b: {  	_ =	shalt  }
0x5c: {  	_ =	shalt  }
0x5d: {  	_ =	shalt  }
0x5e: {  	_ =	shalt  }
0x5f: {  	_ =	shalt  }
0x60: {  	_ =	shalt  }
0x61: {  	_ =	shalt  }
0x62: {  	_ =	shalt  }
0x63: {  	_ =	shalt  }
0x64: {  	_ =	shalt  }
0x65: {  	_ =	shalt  }
0x66: {  	_ =	shalt  }
0x67: {  	_ =	shalt  }
0x68: {  	_ =	shalt  }
0x69: {  	_ =	shalt  }
0x6a: {  	_ =	shalt  }
0x6b: {  	_ =	shalt  }
0x6c: {  	_ =	shalt  }
0x6d: {  	_ =	shalt  }
0x6e: {  	_ =	shalt  }
0x6f: {  	_ =	shalt  }
0x70: {  	_ =	shalt  }
0x71: {  	_ =	shalt  }
0x72: {  	_ =	shalt  }
0x73: {  	_ =	shalt  }
0x74: {  	_ =	shalt  }
0x75: {  	_ =	shalt  }
0x76: {  	_ =	shalt  }
0x77: {  	_ =	shalt  }
0x78: {  	_ =	shalt  }
0x79: {  	_ =	shalt  }
0x7a: {  	_ =	shalt  }
0x7b: {  	_ =	shalt  }
0x7c: {  	_ =	shalt  }
0x7d: {  	_ =	shalt  }
0x7e: {  	_ =	shalt  }
0x7f: {  	_ =	shalt  }
0x80: {  	_ =	shalt  }
0x81: {  	_ =	shalt  }
0x82: {  	_ =	shalt  }
0x83: {  	_ =	shalt  }
0x84: {  	_ =	shalt  }
0x85: {  	_ =	shalt  }
0x86: {  	_ =	shalt  }
0x87: {  	_ =	shalt  }
.Lfunc_end0:
.L_simem_size_0:
called_computation_lowered:
.L_overlay_start_0:
0x88: {  	s2 =	sld [smem:$0x3FD9]  }
0x89: {  	s3 =	sld [smem:$0x3FFE];
	_ =	sdelay $0x1  }
0x8a: {  	s1 =	srdreg.scid  }
0x8b: {  	s0 =	sand.u32 $0x1, s1  }
0x8c: {  	s16 =	sshll.u32 s0, $0xA;
	s2 =	sadd.s32 s3, s2  }
0x8d: {  	s2 =	sadd.s32 s2, s16  }
0x8e: {  	[smem:$0x3FC5] =	sst s2  }
0x8f: {  	_ = 	snop  }
0x90: {  	(tm) =	ssettm $0x1  }
0x91: {  	s17 =	sld [smem:$0x3FFB];
	_ =	sdelay $0x3  }
0x92: {  	_ =	strace s17  }
0x93: {  	s2 =	sld [smem:$0x3FFC];
	_ =	sdelay $0x3  }
0x94: {  	_ =	strace s2  }
0x95: {  	s2 =	sld [smem:$0x3FFD];
	_ =	sdelay $0x3  }
0x96: {  	_ =	strace s2  }
0x97: {  	_ =	strace $0x8FFFFFFF  }
0x98: {  	s18 =	sld [smem:$0x3FDB];
	_ =	sdelay $0x1  }
0x99: {  	s19 =	simm.s32 $_scs_section_size  }
0x9a: {  	s4 =	simm.s32 $_size__tile_overlayer_lowered;
	s5 =	simm.s32 $_tile_overlayer_lowered  }
0x9b: {  	s22 =	simm.s32 $0x1BFF;
	s21 =	sshll.u32 s5, $0x1;
	s2 =	sadd.s32 s19, s18  }
0x9c: {  	s6 =	simm.s32 $0x0;
	s20 =	sshll.u32 s4, $0x1;
	s4 =	sadd.s32 s21, s2  }
0x9d: {  	[timem:s6], [sflag:s22] =	dma.local [hbm:s4], s20  }
0x9e: {  	_ =	swait.ge [sflag:s22], s20  }
0x9f: {  	s3 =	ssub.s32 $0x0, s20;
	[sflag:s22] =	ssyncset.done $0x0  }
0xa0: {  	[sflag:s22] =	ssyncadd.s32 s3;
	_ =	sdelay $0x1  }
0xa1: {  	s23 =	simm.s32 $0x1B8B  }
0xa2: {  	_ =	swait.ge [sflag:s23], $0x1  }
0xa3: {  	[sflag:s23] =	ssyncset.done $0x0  }
0xa4: {  	s25 =	simm.s32 $0x1B8E;
	s24 =	sld [smem:$0x3FFE];
	[sflag:s23] =	ssyncadd.s32 $0xFFFFFFFF  }
0xa5: {  	s26 =	simm.s32 $execute0_lowered;
	[smem:$0x3FD2] =	sst s25  }
0xa6: {  	s4 =	sshll.u32 s26, $0x1;
	_ =	strace $0x80000046;
	[dreg:$0x1] =	wrdreg $0xFFFFFFFF  }
0xa7: {  	s28 =	simm.s32 $_size_execute0_lowered;
	s2 =	sadd.s32 s2, s4;
	[dreg:$0x0] =	wrdreg $0x0  }
0xa8: {  	s4 =	sshll.u32 s28, $0x1;
	[dreg:$0x2] =	wrdreg s2  }
0xa9: {  	[dreg:$0x3] =	wrdreg s4  }
0xaa: {  	[dreg:$0x4] =	wrdreg $0xC0  }
0xab: {  	_ =	task [dreg:s6], $0x5FFFF  }
0xac: {  	[dreg:$0x1] =	wrdreg $0xFFFFFFFF  }
0xad: {  	[dreg:$0x0] =	wrdreg $0x60  }
0xae: {  	[dreg:$0x2] =	wrdreg s24  }
0xaf: {  	[dreg:$0x3] =	wrdreg $0x9  }
0xb0: {  	_ =	task.clear_ibuf [dreg:s6], $0x4FFFF;
	_ =	strace $0x90000046  }
0xb1: {  	s29 =	simm.s32 $0x9;
	_ =	strace $0x80000048  }
0xb2: {  	_ =	swait.ge [sflag:s29], $0x1  }
0xb3: {  	[sflag:s29] =	ssyncadd.s32 $0xFFFFFFFF  }
0xb4: {  	_ =	strace $0x90000048  }
0xb5: {  	_ =	sfence  }
0xb6: {  	s30 =	sld [smem:$0x0];
	_ =	sdelay $0x2  }
0xb7: {  	s31 =	sshll.u32 s1, $0xD;
	s1 =	sshrl.u32 s1, $0x2  }
0xb8: {  	s3 =	sand.u32 $0x4000, s31;
	s1 =	sadd.s32 s1, s30  }
0xb9: {  	s0 =	sor.u32 s3, s0;
	s1 =	sshll.u32 s1, $0x11  }
0xba: {  	s0 =	sor.u32 s1, s0  }
0xbb: {  	s0 =	sadd.s32 $0x8F2B, s0  }
0xbc: {  	[sflag:s0] =	ssyncadd.remote.s32 $0x1  }
0xbd: {  	_ =	sfence.sel $0xFFFF  }
0xbe: {  	[dreg:$0x0] =	wrdreg $0xFFFFFFFF;
	(pc) =	sbr.abs _section_cstart, $3  }
0xbf: {  	[dreg:$0x1] =	wrdreg $0xFFFFFFFF  }
0xc0: {  	_ =	task.clear_ibuf [dreg:s6], $0x2FFFF;
	_ =	strace $0x9FFFFFFF  }
0xc1: {  	(tm) =	ssettm $0x7FFFFFFF  }
tec
execute0_lowered:
.L_overlay_start_1:
0x0: {  	(tag) =	ssettag $0x1  }
0x1: {  	s4 =	rddreg [dreg:$0x0]  }
0x2: {  	s0 =	rddreg [dreg:$0x1]  }
0x3: {  	s2 =	simm.s32 $0x0;
	s3 =	srdreg.scid;
	s1 =	stileid.u32  }
0x4: {  	s9 =	simm.s32 $0x1;
	s10 =	simm.s32 $0x10200;
	s11 =	simm.s32 $0x0  }
0x5: {  	[smem:$0x7FF] =	sst s2;
	s5 =	sand.u32 $0x1, s3;
	s6 =	sshll.u32 s1, $0x1  }
0x6: {  	s3 =	sadd.s32 $0xC00, s4;
	_ =	strace $0x80000047;
	s6 =	sor.u32 s5, s6  }
0x7: {  	s5 =	ssub.s32 $0x2, s5;
	s7 =	sshll.u32 s6, $0x6;
	s6 =	sshll.u32 s6, $0x4  }
0x8: {  	s31 =	sshrl.u32 s5, $0x1;
	s7 =	sadd.s32 s7, s4;
	s6 =	sadd.s32 s6, s4  }
0x9: {  	s8 =	ssub.s32 s5, s31;
	s4 =	sadd.s32 $0x400, s7;
	s5 =	sadd.s32 $0x1000, s6  }
0xa: {  	s6 =	smax.u32 s8, $0x1;
	s7 =	simm.s32 $0x2;
	s8 =	simm.s32 $0x200  }
.LBB2_1:
0xb: {  	[tilespmem:s2], [sflag:$0x2] =	stream.linear.gather [hbm4b:s4+s2], $0x200, $0x38;
	[tilespmem:$0x10280] =	vst v63  }
0xc: {  	_ =	swait.ge [sflag:s7], $0x200  }
0xd: {  	[sflag:s7] =	ssyncset.done $0x0  }
0xe: {  	[sflag:s7] =	ssyncadd.s32 $0xFFFFFE00  }
0xf: {  	[tilespmem:s8], [sflag:$0x1] =	stream.indirect.gather [hbm4b:s3+s8], $0x80, s2, s8, $0xb8;
	[tilespmem:$0x10280] =	vst v63  }
0x10: {  	_ =	swait.ge [sflag:s9], $0x10000  }
0x11: {  	[sflag:s9] =	ssyncset.done $0x0  }
0x12: {  	s13 =	simm.s32 $0x0;
	[sflag:s9] =	ssyncadd.s32 $0xFFFF0000  }
0x13: {  	v0 =	vimm.f32 $0.0e+00;
	s12 =	simm.s32 $0x200;
	v1 =	vld [tilespmem:s13+$0x200]  }
.LBB2_2:
0x14: {  	p0 =	sne.s32 s12, $0x3FE00  }
.Ltmp0:
0x15: {  	_ = 	snop;
	(pc) =	sbr.rel @p0 .LBB2_2-.Ltmp0, $3  }
0x16: {  	_ =	sdelay $0x1  }
0x17: {  	s13 =	sshra.s32 s12, $0x2;
	s12 =	sadd.s32 $0x200, s12;
	v0 =	vadd.f32 v1, v0  }
0x18: {  	v1 =	vld [tilespmem:s13+$0x200]  }
0x19: {  	_ =	sdelay $0x3  }
0x1a: {  	s11 =	sadd.s32 $0x1, s11;
	v0 =	vadd.f32 v1, v0  }
0x1b: {  	p0 =	sne.s32 s11, s6  }
.Ltmp1:
0x1c: {  	[tilespmem:$0x10200] =	vst v0;
	(pc) =	sbr.rel @p0 .LBB2_1-.Ltmp1, $4  }
0x1d: {  	[hbm4b:s5+s2] =	stream.linear.scatter [tilespmem:s10], [sflag:$0x2], $0x80, $0x38;
	[tilespmem:$0x10280] =	vst v63  }
0x1e: {  	_ =	swait.ge [sflag:s7], $0x80  }
0x1f: {  	[sflag:s7] =	ssyncset.done $0x0  }
0x20: {  	[sflag:s7] =	ssyncadd.s32 $0xFFFFFF80  }
0x21: {  	_ =	sfence.sel $0x180000  }
0x22: {  	[bflag:$0x0] =	sbarrier.arrive $0xFFFF  }
0x23: {  	p0 =	sne.s32 s1, $0x0;
	_ =	strace $0x90000047  }
0x24: {  	s0 =	sadd.s32 @!p0 $0x100000, s0;
	[bflag:$0x2] =	sbarrier.arrive $0xFFFF  }
0x25: {  	[sflag:s0] =	ssyncadd.tile.s32 @!p0 $0x1;
	_ =	shalt  }
.Lfunc_end2:
_tile_overlayer_lowered:
.L_overlay_start_2:
0x26: {  	(tag) =	ssettag $0x2  }
0x27: {  	s0 =	rddreg [dreg:$0x0];
	s2 =	stileid.u32  }
0x28: {  	s1 =	rddreg [dreg:$0x1];
	p0 =	sne.s32 s2, $0x0  }
0x29: {  	s3 =	rddreg [dreg:$0x2];
	[bflag:$0x3] =	sbarrier.arrive $0xFFFF;
	s2 =	simm.s32 @!p0 $0x1C02  }
0x2a: {  	[timem:s3], [sflag:s2] =	dma.local @!p0 [hbm:s0], s1  }
0x2b: {  	s0 =	simm.s32 @!p0 $0x2  }
0x2c: {  	_ =	swait.ge @!p0 [sflag:s0], s1  }
0x2d: {  	s1 =	ssub.s32 @!p0 $0x0, s1;
	[sflag:s0] =	ssyncset.done @!p0 $0x0  }
0x2e: {  	[sflag:s0] =	ssyncadd.s32 @!p0 s1  }
0x2f: {  	[bflag:$0x3] =	sbarrier.arrive $0xFFFF  }
0x30: {  	_ =	shalt  }

</sc_bundles>
